<compile_context>
chip_gen: v7x
topology: tpu7x:2x2x1
jax: 0.10.2.dev20260603
libtpu: 0.0.44.dev20260713+nightly
codegen_flags: <defaults>
</compile_context>

<pallas_src>
import functools

import jax
import jax.numpy as jnp
from jax import lax
from jax.experimental import pallas as pl
from jax.experimental.pallas import tpu as pltpu
from jax.experimental.pallas import tpu_sc as plsc

INPUT_DIM = 2048
B, T = 4, 4096
ROWS = B * T
NC, NS, LANES = 2, 16, 16
NW = NC * NS
RPW = ROWS // NW
WPB = T // RPW
SPEC_BLOCK = 10


def _sc_body(x_hbm, mu_hbm, g_hbm, out_hbm,
             mu_v, g_v, blk_v, col_v, sems):
    c = lax.axis_index("c")
    s = lax.axis_index("s")
    wid = s * NC + c
    base = wid * RPW
    half = RPW // 2

    copies = [
        pltpu.async_copy(
            x_hbm.at[pl.ds(base + ch * half, half),
                     pl.ds(SPEC_BLOCK * 128, 128)],
            blk_v.at[pl.ds(ch * half, half)],
            sems[2 + ch],
        )
        for ch in range(2)
    ]

    stage_mu = pltpu.async_copy(mu_hbm, mu_v, sems[0])
    stage_g = pltpu.async_copy(g_hbm, g_v, sems[1])
    stage_mu.wait()
    stage_g.wait()

    lanes = jnp.arange(LANES, dtype=jnp.int32)

    def body(i, carry):
        bv0, bi0, bv1, bi1 = carry
        off = i * 2 * LANES
        y0 = mu_v[pl.ds(off, LANES)] + g_v[pl.ds(off, LANES)]
        y1 = mu_v[pl.ds(off + LANES, LANES)] + g_v[pl.ds(off + LANES, LANES)]
        t0_ = y0 > bv0
        t1_ = y1 > bv1
        return (jnp.where(t0_, y0, bv0), jnp.where(t0_, off + lanes, bi0),
                jnp.where(t1_, y1, bv1),
                jnp.where(t1_, off + LANES + lanes, bi1))

    bv0, bi0, bv1, bi1 = lax.fori_loop(
        0, INPUT_DIM // (2 * LANES), body,
        (jnp.full((LANES,), -3.0e38, jnp.float32),
         jnp.zeros((LANES,), jnp.int32),
         jnp.full((LANES,), -3.0e38, jnp.float32),
         jnp.zeros((LANES,), jnp.int32)), unroll=2)
    take = (bv1 > bv0) | ((bv1 == bv0) & (bi1 < bi0))
    bv = jnp.where(take, bv1, bv0)
    bi = jnp.where(take, bi1, bi0)
    _, si = plsc.sort_key_val(bv, bi, descending=True)
    idx = si[0]

    copies[0].wait()
    copies[1].wait()

    @pl.when((idx // 128) != SPEC_BLOCK)
    def _refetch():
        col0 = pl.multiple_of((idx // 128) * 128, 128)
        pltpu.sync_copy(x_hbm.at[pl.ds(base, RPW), pl.ds(col0, 128)], blk_v)

    cvec = jnp.zeros((LANES,), jnp.int32) + (idx & 127)

    def gbody(r, _):
        row_idx = r * LANES + lanes
        vals = plsc.load_gather(blk_v, [row_idx, cvec])
        col_v[pl.ds(r * LANES, LANES)] = vals
        return 0

    lax.fori_loop(0, RPW // LANES, gbody, 0)

    b = wid // WPB
    t0 = (wid % WPB) * RPW
    pltpu.sync_copy(col_v, out_hbm.at[b, pl.ds(t0, RPW)])


_sc_gather = functools.partial(
    pl.kernel,
    mesh=plsc.VectorSubcoreMesh(core_axis_name="c", subcore_axis_name="s"),
    out_type=jax.ShapeDtypeStruct((B, T), jnp.float32),
    scratch_types=[
        pltpu.VMEM((INPUT_DIM,), jnp.float32),
        pltpu.VMEM((INPUT_DIM,), jnp.float32),
        pltpu.VMEM((RPW, 128), jnp.float32),
        pltpu.VMEM((RPW,), jnp.float32),
        [pltpu.SemaphoreType.DMA] * 4,
    ],
    compiler_params=pltpu.CompilerParams(needs_layout_passes=False),
)(_sc_body)


def kernel(x, mu):
    u = jax.random.uniform(jax.random.key(42), (INPUT_DIM,),
                           minval=1e-10, maxval=1.0)
    g = -jnp.log(-jnp.log(u))
    x2 = x.reshape(ROWS, INPUT_DIM)
    return _sc_gather(x2, mu, g).reshape(B, T, 1)

# --- scband reference (transcript-rebuilt; emitter-appended) ---
"""Pipeline reference for scband-feature-selector-gumble-23888608100694 (READ-ONLY COPY).

The authoritative reference and input builder live on the scoring server;
editing this copy changes nothing except your own understanding.
"""

import jax, jax.numpy as jnp
import numpy as np

TEMP = 0.01
INPUT_DIM = 2048


def setup_inputs(seed: int = 0) -> dict:
    key = jax.random.key(seed)
    kx, = jax.random.split(key, 1)
    x = jax.random.normal(kx, (4, 4096, INPUT_DIM), dtype=jnp.float32)
    # learned parameter mu, built exactly as in __init__
    params = np.zeros(INPUT_DIM, dtype=np.float32)
    params[123] = 0.5  # random.randint(0, input_dim-1) with a fixed seed
    mu = jnp.asarray(0.01 * params + 0.5, dtype=jnp.float32)
    return {"x": x, "mu": mu}


def _gumbel_softmax_hard(logits, temp, key):
    # torch.nn.functional.gumbel_softmax(logits, tau=temp, hard=True)
    u = jax.random.uniform(key, logits.shape, minval=1e-10, maxval=1.0)
    g = -jnp.log(-jnp.log(u))
    y_soft = jax.nn.softmax((logits + g) / temp)
    idx = jnp.argmax(y_soft)
    y_hard = jax.nn.one_hot(idx, logits.shape[0], dtype=y_soft.dtype)
    # straight-through: value == y_hard, grad flows through y_soft
    return y_hard - jax.lax.stop_gradient(y_soft) + y_soft


def reference(x, mu):
    gumbel_key = jax.random.key(42)
    feature_probs = _gumbel_softmax_hard(mu, TEMP, gumbel_key)
    # torch.multinomial(feature_probs, num_samples=1): sample one index from the
    # (one-hot) probability vector. Integer output -> no gradient path.
    samp_key = jax.random.key(7)
    logits = jnp.log(jax.lax.stop_gradient(feature_probs) + 1e-20)
    sampled_feature_idx = jax.random.categorical(samp_key, logits, shape=(1,))
    # x[:, :, sampled_feature_idx] -> shape [B, T, 1]
    return jnp.take(x, sampled_feature_idx, axis=2)

if __name__ == "__main__":
    import jax
    _d = setup_inputs()
    print(jax.jit(kernel)(*tuple(_d.values())))

</pallas_src>

<mosaic_0001>
#map = affine_map<(d0, d1) -> (0, 0)>
#map1 = affine_map<(d0, d1) -> (0)>
module attributes {stable_mosaic.version = 14 : i64} {
  func.func @_sc_body(%arg0: i32, %arg1: i32, %arg2: memref<16384x2048xf32, #tpu.memory_space<hbm>>, %arg3: memref<2048xf32, #tpu.memory_space<hbm>>, %arg4: memref<2048xf32, #tpu.memory_space<hbm>>, %arg5: memref<4x4096xf32, #tpu.memory_space<hbm>>, %arg6: memref<2048xf32, #tpu.memory_space<vmem>>, %arg7: memref<2048xf32, #tpu.memory_space<vmem>>, %arg8: memref<512x128xf32, #tpu.memory_space<vmem>>, %arg9: memref<512xf32, #tpu.memory_space<vmem>>, %arg10: memref<!tpu.dma_semaphore, #tpu.memory_space<semaphore_mem>>, %arg11: memref<!tpu.dma_semaphore, #tpu.memory_space<semaphore_mem>>, %arg12: memref<!tpu.dma_semaphore, #tpu.memory_space<semaphore_mem>>, %arg13: memref<!tpu.dma_semaphore, #tpu.memory_space<semaphore_mem>>) attributes {dimension_semantics = [#tpu.dimension_semantics<core_parallel>, #tpu.dimension_semantics<subcore_parallel>], iteration_bounds = array<i64: 2, 16>, scalar_prefetch = 0 : i64, scratch_operands = 8 : i64, tpu.core_type = #tpu.core_type<sc_vector_subcore>, window_params = [{transform_indices = #map}, {transform_indices = #map1}, {transform_indices = #map1}, {transform_indices = #map}]} {
    %mul3A = arith.constant 2 : i32
    %mul3A_0 = arith.muli %arg1, %mul3A : i32
    %add3A = arith.addi %mul3A_0, %arg0 : i32
    %mul3A_1 = arith.constant 512 : i32
    %mul3A_2 = arith.muli %add3A, %mul3A_1 : i32
    %add3A_3 = arith.constant 0 : i32
    %add3A_4 = arith.addi %mul3A_2, %add3A_3 : i32
    %dma_start3A = arith.constant 0 : i32
    %dma_start3A_5 = arith.constant 0 : i32
    %dma_start3A_6 = tpu.memref_slice %arg8[%dma_start3A, %dma_start3A_5] : memref<512x128xf32, #tpu.memory_space<vmem>> -> memref<256x128xf32, #tpu.memory_space<vmem>>
    %dma_start3A_7 = arith.constant 1280 : i32
    %dma_start3A_8 = tpu.memref_slice %arg2[%add3A_4, %dma_start3A_7] : memref<16384x2048xf32, #tpu.memory_space<hbm>> -> memref<256x128xf32, #tpu.memory_space<hbm>>
    %dma_start3A_9 = arith.constant 0 : i32
    %dma_start3A_10 = arith.constant 0 : i32
    %dma_start3A_11 = tpu.memref_slice %arg8[%dma_start3A_9, %dma_start3A_10] : memref<512x128xf32, #tpu.memory_space<vmem>> -> memref<256x128xf32, #tpu.memory_space<vmem>>
    %dma_start3A_12 = arith.constant 1280 : i32
    %dma_start3A_13 = tpu.memref_slice %arg2[%add3A_4, %dma_start3A_12] : memref<16384x2048xf32, #tpu.memory_space<hbm>> -> memref<256x128xf32, #tpu.memory_space<hbm>>
    tpu.enqueue_dma source(%dma_start3A_13 : memref<256x128xf32, #tpu.memory_space<hbm>>) target(%dma_start3A_11 : memref<256x128xf32, #tpu.memory_space<vmem>>) target_semaphore(%arg12 : memref<!tpu.dma_semaphore, #tpu.memory_space<semaphore_mem>>)
    %add3A_14 = arith.constant 256 : i32
    %add3A_15 = arith.addi %mul3A_2, %add3A_14 : i32
    %dma_start3A_16 = arith.constant 256 : i32
    %dma_start3A_17 = arith.constant 0 : i32
    %dma_start3A_18 = tpu.memref_slice %arg8[%dma_start3A_16, %dma_start3A_17] : memref<512x128xf32, #tpu.memory_space<vmem>> -> memref<256x128xf32, #tpu.memory_space<vmem>>
    %dma_start3A_19 = arith.constant 1280 : i32
    %dma_start3A_20 = tpu.memref_slice %arg2[%add3A_15, %dma_start3A_19] : memref<16384x2048xf32, #tpu.memory_space<hbm>> -> memref<256x128xf32, #tpu.memory_space<hbm>>
    %dma_start3A_21 = arith.constant 256 : i32
    %dma_start3A_22 = arith.constant 0 : i32
    %dma_start3A_23 = tpu.memref_slice %arg8[%dma_start3A_21, %dma_start3A_22] : memref<512x128xf32, #tpu.memory_space<vmem>> -> memref<256x128xf32, #tpu.memory_space<vmem>>
    %dma_start3A_24 = arith.constant 1280 : i32
    %dma_start3A_25 = tpu.memref_slice %arg2[%add3A_15, %dma_start3A_24] : memref<16384x2048xf32, #tpu.memory_space<hbm>> -> memref<256x128xf32, #tpu.memory_space<hbm>>
    tpu.enqueue_dma source(%dma_start3A_25 : memref<256x128xf32, #tpu.memory_space<hbm>>) target(%dma_start3A_23 : memref<256x128xf32, #tpu.memory_space<vmem>>) target_semaphore(%arg13 : memref<!tpu.dma_semaphore, #tpu.memory_space<semaphore_mem>>)
    tpu.enqueue_dma source(%arg3 : memref<2048xf32, #tpu.memory_space<hbm>>) target(%arg6 : memref<2048xf32, #tpu.memory_space<vmem>>) target_semaphore(%arg10 : memref<!tpu.dma_semaphore, #tpu.memory_space<semaphore_mem>>)
    tpu.enqueue_dma source(%arg4 : memref<2048xf32, #tpu.memory_space<hbm>>) target(%arg7 : memref<2048xf32, #tpu.memory_space<vmem>>) target_semaphore(%arg11 : memref<!tpu.dma_semaphore, #tpu.memory_space<semaphore_mem>>)
    tpu.wait_dma2 semaphore(%arg10 : memref<!tpu.dma_semaphore, #tpu.memory_space<semaphore_mem>>) src(%arg3 : memref<2048xf32, #tpu.memory_space<hbm>>) dst(%arg6 : memref<2048xf32, #tpu.memory_space<vmem>>)
    tpu.wait_dma2 semaphore(%arg11 : memref<!tpu.dma_semaphore, #tpu.memory_space<semaphore_mem>>) src(%arg4 : memref<2048xf32, #tpu.memory_space<hbm>>) dst(%arg7 : memref<2048xf32, #tpu.memory_space<vmem>>)
    %iota3A = tpu.iota {dimensions = array<i32: 0>} : vector<16xi32>
    %broadcast_in_dim3A = arith.constant -3.000000e+38 : f32
    %broadcast_in_dim3A_26 = vector.broadcast %broadcast_in_dim3A : f32 to vector<16xf32>
    %broadcast_in_dim3A_27 = arith.constant 0 : i32
    %broadcast_in_dim3A_28 = vector.broadcast %broadcast_in_dim3A_27 : i32 to vector<16xi32>
    %broadcast_in_dim3A_29 = arith.constant -3.000000e+38 : f32
    %broadcast_in_dim3A_30 = vector.broadcast %broadcast_in_dim3A_29 : f32 to vector<16xf32>
    %broadcast_in_dim3A_31 = arith.constant 0 : i32
    %broadcast_in_dim3A_32 = vector.broadcast %broadcast_in_dim3A_31 : i32 to vector<16xi32>
    %scan3A = arith.constant 0 : i32
    %scan3A_33 = arith.constant 64 : i32
    %scan3A_34 = arith.addi %scan3A, %scan3A_33 : i32
    %scan3A_35 = arith.constant 2 : i32
    %scan3A_36:4 = scf.for %scan3A_137 = %scan3A to %scan3A_34 step %scan3A_35 iter_args(%scan3A_138 = %broadcast_in_dim3A_26, %scan3A_139 = %broadcast_in_dim3A_28, %scan3A_140 = %broadcast_in_dim3A_30, %scan3A_141 = %broadcast_in_dim3A_32) -> (vector<16xf32>, vector<16xi32>, vector<16xf32>, vector<16xi32>)  : i32 {
      %mul3A_142 = arith.constant 2 : i32
      %mul3A_143 = arith.muli %scan3A_137, %mul3A_142 : i32
      %mul3A_144 = arith.constant 16 : i32
      %mul3A_145 = arith.muli %mul3A_143, %mul3A_144 : i32
      %get3A = arith.index_cast %mul3A_145 : i32 to index
      %get3A_146 = tpu.vector_load %arg6[%get3A] {strides = array<i32>} : memref<2048xf32, #tpu.memory_space<vmem>>, vector<16xf32>,
      %get3A_147 = arith.index_cast %mul3A_145 : i32 to index
      %get3A_148 = tpu.vector_load %arg7[%get3A_147] {strides = array<i32>} : memref<2048xf32, #tpu.memory_space<vmem>>, vector<16xf32>,
      %add3A_149 = arith.addf %get3A_146, %get3A_148 : vector<16xf32>
      %add3A_150 = arith.constant 16 : i32
      %add3A_151 = arith.addi %mul3A_145, %add3A_150 : i32
      %get3A_152 = arith.index_cast %add3A_151 : i32 to index
      %get3A_153 = tpu.vector_load %arg6[%get3A_152] {strides = array<i32>} : memref<2048xf32, #tpu.memory_space<vmem>>, vector<16xf32>,
      %add3A_154 = arith.constant 16 : i32
      %add3A_155 = arith.addi %mul3A_145, %add3A_154 : i32
      %get3A_156 = arith.index_cast %add3A_155 : i32 to index
      %get3A_157 = tpu.vector_load %arg7[%get3A_156] {strides = array<i32>} : memref<2048xf32, #tpu.memory_space<vmem>>, vector<16xf32>,
      %add3A_158 = arith.addf %get3A_153, %get3A_157 : vector<16xf32>
      %gt3A_159 = arith.cmpf ogt, %add3A_149, %scan3A_138 : vector<16xf32>
      %gt3A_160 = arith.cmpf ogt, %add3A_158, %scan3A_140 : vector<16xf32>
      %select_n3A_161 = arith.select %gt3A_159, %add3A_149, %scan3A_138 : vector<16xi1>, vector<16xf32>
      %add3A_162 = vector.broadcast %mul3A_145 : i32 to vector<16xi32>
      %add3A_163 = arith.addi %add3A_162, %iota3A : vector<16xi32>
      %select_n3A_164 = arith.select %gt3A_159, %add3A_163, %scan3A_139 : vector<16xi1>, vector<16xi32>
      %select_n3A_165 = arith.select %gt3A_160, %add3A_158, %scan3A_140 : vector<16xi1>, vector<16xf32>
      %add3A_166 = arith.constant 16 : i32
      %add3A_167 = arith.addi %mul3A_145, %add3A_166 : i32
      %add3A_168 = vector.broadcast %add3A_167 : i32 to vector<16xi32>
      %add3A_169 = arith.addi %add3A_168, %iota3A : vector<16xi32>
      %select_n3A_170 = arith.select %gt3A_160, %add3A_169, %scan3A_141 : vector<16xi1>, vector<16xi32>
      %scan3A_171 = arith.constant 1 : i32
      %scan3A_172 = arith.addi %scan3A_137, %scan3A_171 : i32
      %mul3A_173 = arith.constant 2 : i32
      %mul3A_174 = arith.muli %scan3A_172, %mul3A_173 : i32
      %mul3A_175 = arith.constant 16 : i32
      %mul3A_176 = arith.muli %mul3A_174, %mul3A_175 : i32
      %get3A_177 = arith.index_cast %mul3A_176 : i32 to index
      %get3A_178 = tpu.vector_load %arg6[%get3A_177] {strides = array<i32>} : memref<2048xf32, #tpu.memory_space<vmem>>, vector<16xf32>,
      %get3A_179 = arith.index_cast %mul3A_176 : i32 to index
      %get3A_180 = tpu.vector_load %arg7[%get3A_179] {strides = array<i32>} : memref<2048xf32, #tpu.memory_space<vmem>>, vector<16xf32>,
      %add3A_181 = arith.addf %get3A_178, %get3A_180 : vector<16xf32>
      %add3A_182 = arith.constant 16 : i32
      %add3A_183 = arith.addi %mul3A_176, %add3A_182 : i32
      %get3A_184 = arith.index_cast %add3A_183 : i32 to index
      %get3A_185 = tpu.vector_load %arg6[%get3A_184] {strides = array<i32>} : memref<2048xf32, #tpu.memory_space<vmem>>, vector<16xf32>,
      %add3A_186 = arith.constant 16 : i32
      %add3A_187 = arith.addi %mul3A_176, %add3A_186 : i32
      %get3A_188 = arith.index_cast %add3A_187 : i32 to index
      %get3A_189 = tpu.vector_load %arg7[%get3A_188] {strides = array<i32>} : memref<2048xf32, #tpu.memory_space<vmem>>, vector<16xf32>,
      %add3A_190 = arith.addf %get3A_185, %get3A_189 : vector<16xf32>
      %gt3A_191 = arith.cmpf ogt, %add3A_181, %select_n3A_161 : vector<16xf32>
      %gt3A_192 = arith.cmpf ogt, %add3A_190, %select_n3A_165 : vector<16xf32>
      %select_n3A_193 = arith.select %gt3A_191, %add3A_181, %select_n3A_161 : vector<16xi1>, vector<16xf32>
      %add3A_194 = vector.broadcast %mul3A_176 : i32 to vector<16xi32>
      %add3A_195 = arith.addi %add3A_194, %iota3A : vector<16xi32>
      %select_n3A_196 = arith.select %gt3A_191, %add3A_195, %select_n3A_164 : vector<16xi1>, vector<16xi32>
      %select_n3A_197 = arith.select %gt3A_192, %add3A_190, %select_n3A_165 : vector<16xi1>, vector<16xf32>
      %add3A_198 = arith.constant 16 : i32
      %add3A_199 = arith.addi %mul3A_176, %add3A_198 : i32
      %add3A_200 = vector.broadcast %add3A_199 : i32 to vector<16xi32>
      %add3A_201 = arith.addi %add3A_200, %iota3A : vector<16xi32>
      %select_n3A_202 = arith.select %gt3A_192, %add3A_201, %select_n3A_170 : vector<16xi1>, vector<16xi32>
      scf.yield %select_n3A_193, %select_n3A_196, %select_n3A_197, %select_n3A_202 : vector<16xf32>, vector<16xi32>, vector<16xf32>, vector<16xi32>
    }
    %scan3A_37 = arith.constant 64 : i32
    %gt3A = arith.cmpf ogt, %scan3A_36#2, %scan3A_36#0 : vector<16xf32>
    %eq3A = arith.cmpf oeq, %scan3A_36#2, %scan3A_36#0 : vector<16xf32>
    %lt3A = arith.cmpi slt, %scan3A_36#3, %scan3A_36#1 : vector<16xi32>
    %and3A = arith.andi %eq3A, %lt3A : vector<16xi1>
    %or3A = arith.ori %gt3A, %and3A : vector<16xi1>
    %select_n3A = arith.select %or3A, %scan3A_36#2, %scan3A_36#0 : vector<16xi1>, vector<16xf32>
    %select_n3A_38 = arith.select %or3A, %scan3A_36#3, %scan3A_36#1 : vector<16xi1>, vector<16xi32>
    %masked_sort3A = arith.constant dense<true> : vector<16xi1>
    %masked_sort3A_39, %masked_sort3A_40, %masked_sort3A_41 = tpu.sort %select_n3A, %select_n3A_38 masked %masked_sort3A {descending = true} : (vector<16xf32>, vector<16xi32>, vector<16xi1>) -> (vector<16xi1>, vector<16xf32>, vector<16xi32>)
    %slice3A = vector.extract_strided_slice %masked_sort3A_41 {offsets = [0], sizes = [1], strides = [1]} : vector<16xi32> to vector<1xi32>
    %squeeze3A = vector.extract %slice3A[0] : i32 from vector<1xi32>
    %dma_wait3A = arith.constant 0 : i32
    %dma_wait3A_42 = arith.constant 0 : i32
    %dma_wait3A_43 = tpu.memref_slice %arg8[%dma_wait3A, %dma_wait3A_42] : memref<512x128xf32, #tpu.memory_space<vmem>> -> memref<256x128xf32, #tpu.memory_space<vmem>>
    %dma_wait3A_44 = arith.constant 1280 : i32
    %dma_wait3A_45 = tpu.memref_slice %arg2[%add3A_4, %dma_wait3A_44] : memref<16384x2048xf32, #tpu.memory_space<hbm>> -> memref<256x128xf32, #tpu.memory_space<hbm>>
    %dma_wait3A_46 = arith.constant 0 : i32
    %dma_wait3A_47 = arith.constant 0 : i32
    %dma_wait3A_48 = tpu.memref_slice %arg8[%dma_wait3A_46, %dma_wait3A_47] : memref<512x128xf32, #tpu.memory_space<vmem>> -> memref<256x128xf32, #tpu.memory_space<vmem>>
    %dma_wait3A_49 = arith.constant 1280 : i32
    %dma_wait3A_50 = tpu.memref_slice %arg2[%add3A_4, %dma_wait3A_49] : memref<16384x2048xf32, #tpu.memory_space<hbm>> -> memref<256x128xf32, #tpu.memory_space<hbm>>
    tpu.wait_dma2 semaphore(%arg12 : memref<!tpu.dma_semaphore, #tpu.memory_space<semaphore_mem>>) src(%dma_wait3A_50 : memref<256x128xf32, #tpu.memory_space<hbm>>) dst(%dma_wait3A_48 : memref<256x128xf32, #tpu.memory_space<vmem>>)
    %dma_wait3A_51 = arith.constant 256 : i32
    %dma_wait3A_52 = arith.constant 0 : i32
    %dma_wait3A_53 = tpu.memref_slice %arg8[%dma_wait3A_51, %dma_wait3A_52] : memref<512x128xf32, #tpu.memory_space<vmem>> -> memref<256x128xf32, #tpu.memory_space<vmem>>
    %dma_wait3A_54 = arith.constant 1280 : i32
    %dma_wait3A_55 = tpu.memref_slice %arg2[%add3A_15, %dma_wait3A_54] : memref<16384x2048xf32, #tpu.memory_space<hbm>> -> memref<256x128xf32, #tpu.memory_space<hbm>>
    %dma_wait3A_56 = arith.constant 256 : i32
    %dma_wait3A_57 = arith.constant 0 : i32
    %dma_wait3A_58 = tpu.memref_slice %arg8[%dma_wait3A_56, %dma_wait3A_57] : memref<512x128xf32, #tpu.memory_space<vmem>> -> memref<256x128xf32, #tpu.memory_space<vmem>>
    %dma_wait3A_59 = arith.constant 1280 : i32
    %dma_wait3A_60 = tpu.memref_slice %arg2[%add3A_15, %dma_wait3A_59] : memref<16384x2048xf32, #tpu.memory_space<hbm>> -> memref<256x128xf32, #tpu.memory_space<hbm>>
    tpu.wait_dma2 semaphore(%arg13 : memref<!tpu.dma_semaphore, #tpu.memory_space<semaphore_mem>>) src(%dma_wait3A_60 : memref<256x128xf32, #tpu.memory_space<hbm>>) dst(%dma_wait3A_58 : memref<256x128xf32, #tpu.memory_space<vmem>>)
    %jit3A = arith.constant 128 : i32
    %div3A = arith.divsi %squeeze3A, %jit3A : i32
    %sign3A = arith.constant 0 : i32
    %sign3A_61 = arith.cmpi sgt, %squeeze3A, %sign3A : i32
    %sign3A_62 = arith.extui %sign3A_61 : i1 to i32
    %sign3A_63 = arith.constant 0 : i32
    %sign3A_64 = arith.cmpi slt, %squeeze3A, %sign3A_63 : i32
    %sign3A_65 = arith.extui %sign3A_64 : i1 to i32
    %sign3A_66 = arith.subi %sign3A_62, %sign3A_65 : i32
    %sign3A_67 = arith.constant 0 : i32
    %sign3A_68 = arith.cmpi sgt, %jit3A, %sign3A_67 : i32
    %sign3A_69 = arith.extui %sign3A_68 : i1 to i32
    %sign3A_70 = arith.constant 0 : i32
    %sign3A_71 = arith.cmpi slt, %jit3A, %sign3A_70 : i32
    %sign3A_72 = arith.extui %sign3A_71 : i1 to i32
    %sign3A_73 = arith.subi %sign3A_69, %sign3A_72 : i32
    %ne3A = arith.cmpi ne, %sign3A_66, %sign3A_73 : i32
    %rem3A = arith.remsi %squeeze3A, %jit3A : i32
    %ne3A_74 = arith.constant 0 : i32
    %ne3A_75 = arith.cmpi ne, %rem3A, %ne3A_74 : i32
    %and3A_76 = arith.andi %ne3A, %ne3A_75 : i1
    %sub3A = arith.constant 1 : i32
    %sub3A_77 = arith.subi %div3A, %sub3A : i32
    %select_n3A_78 = arith.select %and3A_76, %sub3A_77, %div3A : i32
    %ne3A_79 = arith.constant 10 : i32
    %ne3A_80 = arith.cmpi ne, %select_n3A_78, %ne3A_79 : i32
    %convert_element_type3A = arith.extui %ne3A_80 : i1 to i32
    %cond3A = arith.constant 0 : i32
    %cond3A_81 = arith.cmpi ne, %convert_element_type3A, %cond3A : i32
    scf.if %cond3A_81 {
      %jit3A_137 = arith.constant 128 : i32
      %div3A_138 = arith.divsi %squeeze3A, %jit3A_137 : i32
      %sign3A_139 = arith.constant 0 : i32
      %sign3A_140 = arith.cmpi sgt, %squeeze3A, %sign3A_139 : i32
      %sign3A_141 = arith.extui %sign3A_140 : i1 to i32
      %sign3A_142 = arith.constant 0 : i32
      %sign3A_143 = arith.cmpi slt, %squeeze3A, %sign3A_142 : i32
      %sign3A_144 = arith.extui %sign3A_143 : i1 to i32
      %sign3A_145 = arith.subi %sign3A_141, %sign3A_144 : i32
      %sign3A_146 = arith.constant 0 : i32
      %sign3A_147 = arith.cmpi sgt, %jit3A_137, %sign3A_146 : i32
      %sign3A_148 = arith.extui %sign3A_147 : i1 to i32
      %sign3A_149 = arith.constant 0 : i32
      %sign3A_150 = arith.cmpi slt, %jit3A_137, %sign3A_149 : i32
      %sign3A_151 = arith.extui %sign3A_150 : i1 to i32
      %sign3A_152 = arith.subi %sign3A_148, %sign3A_151 : i32
      %ne3A_153 = arith.cmpi ne, %sign3A_145, %sign3A_152 : i32
      %rem3A_154 = arith.remsi %squeeze3A, %jit3A_137 : i32
      %ne3A_155 = arith.constant 0 : i32
      %ne3A_156 = arith.cmpi ne, %rem3A_154, %ne3A_155 : i32
      %and3A_157 = arith.andi %ne3A_153, %ne3A_156 : i1
      %sub3A_158 = arith.constant 1 : i32
      %sub3A_159 = arith.subi %div3A_138, %sub3A_158 : i32
      %select_n3A_160 = arith.select %and3A_157, %sub3A_159, %div3A_138 : i32
      %mul3A_161 = arith.constant 128 : i32
      %mul3A_162 = arith.muli %select_n3A_160, %mul3A_161 : i32
      %multiple_of3A = tpu.assume_multiple %mul3A_162, 128 : i32
      "tpu.region"() ({
        %run_scoped3A = tpu.sem_alloc : memref<!tpu.dma_semaphore, #tpu.memory_space<semaphore_mem>>
        %dma_start3A_163 = tpu.memref_slice %arg2[%mul3A_2, %multiple_of3A] : memref<16384x2048xf32, #tpu.memory_space<hbm>> -> memref<512x128xf32, #tpu.memory_space<hbm>>
        %dma_start3A_164 = tpu.memref_slice %arg2[%mul3A_2, %multiple_of3A] : memref<16384x2048xf32, #tpu.memory_space<hbm>> -> memref<512x128xf32, #tpu.memory_space<hbm>>
        tpu.enqueue_dma source(%dma_start3A_164 : memref<512x128xf32, #tpu.memory_space<hbm>>) target(%arg8 : memref<512x128xf32, #tpu.memory_space<vmem>>) target_semaphore(%run_scoped3A : memref<!tpu.dma_semaphore, #tpu.memory_space<semaphore_mem>>)
        %dma_wait3A_165 = tpu.memref_slice %arg2[%mul3A_2, %multiple_of3A] : memref<16384x2048xf32, #tpu.memory_space<hbm>> -> memref<512x128xf32, #tpu.memory_space<hbm>>
        %dma_wait3A_166 = tpu.memref_slice %arg2[%mul3A_2, %multiple_of3A] : memref<16384x2048xf32, #tpu.memory_space<hbm>> -> memref<512x128xf32, #tpu.memory_space<hbm>>
        tpu.wait_dma2 semaphore(%run_scoped3A : memref<!tpu.dma_semaphore, #tpu.memory_space<semaphore_mem>>) src(%dma_wait3A_166 : memref<512x128xf32, #tpu.memory_space<hbm>>) dst(%arg8 : memref<512x128xf32, #tpu.memory_space<vmem>>)
        tpu.yield
      }) : () -> ()
    } else {
    }
    %broadcast_in_dim3A_82 = arith.constant 0 : i32
    %broadcast_in_dim3A_83 = vector.broadcast %broadcast_in_dim3A_82 : i32 to vector<16xi32>
    %and3A_84 = arith.constant 127 : i32
    %and3A_85 = arith.andi %squeeze3A, %and3A_84 : i32
    %add3A_86 = vector.broadcast %and3A_85 : i32 to vector<16xi32>
    %add3A_87 = arith.addi %broadcast_in_dim3A_83, %add3A_86 : vector<16xi32>
    %scan3A_88 = arith.constant 0 : i32
    %scan3A_89 = arith.constant 0 : i32
    %scan3A_90 = arith.constant 32 : i32
    %scan3A_91 = arith.addi %scan3A_89, %scan3A_90 : i32
    %scan3A_92 = arith.constant 1 : i32
    %scan3A_93 = scf.for %scan3A_137 = %scan3A_89 to %scan3A_91 step %scan3A_92 iter_args(%scan3A_138 = %scan3A_88) -> (i32)  : i32 {
      %mul3A_139 = arith.constant 16 : i32
      %mul3A_140 = arith.muli %scan3A_137, %mul3A_139 : i32
      %add3A_141 = vector.broadcast %mul3A_140 : i32 to vector<16xi32>
      %add3A_142 = arith.addi %add3A_141, %iota3A : vector<16xi32>
      %gather3A = tpu.vector_load_idx %arg8[%add3A_142, %add3A_87] : memref<512x128xf32, #tpu.memory_space<vmem>>[vector<16xi32>, vector<16xi32>], vector<16xf32>,
      %mul3A_143 = arith.constant 16 : i32
      %mul3A_144 = arith.muli %scan3A_137, %mul3A_143 : i32
      %swap3A = arith.index_cast %mul3A_144 : i32 to index
      %swap3A_145 = tpu.vector_load %arg9[%swap3A] {strides = array<i32>} : memref<512xf32, #tpu.memory_space<vmem>>, vector<16xf32>,
      tpu.vector_store %arg9[%swap3A], %gather3A {strides = array<i32>} : memref<512xf32, #tpu.memory_space<vmem>>, vector<16xf32>,
      %scan3A_146 = arith.constant 0 : i32
      scf.yield %scan3A_146 : i32
    }
    %scan3A_94 = arith.constant 32 : i32
    %jit3A_95 = arith.constant 8 : i32
    %div3A_96 = arith.divsi %add3A, %jit3A_95 : i32
    %sign3A_97 = arith.constant 0 : i32
    %sign3A_98 = arith.cmpi sgt, %add3A, %sign3A_97 : i32
    %sign3A_99 = arith.extui %sign3A_98 : i1 to i32
    %sign3A_100 = arith.constant 0 : i32
    %sign3A_101 = arith.cmpi slt, %add3A, %sign3A_100 : i32
    %sign3A_102 = arith.extui %sign3A_101 : i1 to i32
    %sign3A_103 = arith.subi %sign3A_99, %sign3A_102 : i32
    %sign3A_104 = arith.constant 0 : i32
    %sign3A_105 = arith.cmpi sgt, %jit3A_95, %sign3A_104 : i32
    %sign3A_106 = arith.extui %sign3A_105 : i1 to i32
    %sign3A_107 = arith.constant 0 : i32
    %sign3A_108 = arith.cmpi slt, %jit3A_95, %sign3A_107 : i32
    %sign3A_109 = arith.extui %sign3A_108 : i1 to i32
    %sign3A_110 = arith.subi %sign3A_106, %sign3A_109 : i32
    %ne3A_111 = arith.cmpi ne, %sign3A_103, %sign3A_110 : i32
    %rem3A_112 = arith.remsi %add3A, %jit3A_95 : i32
    %ne3A_113 = arith.constant 0 : i32
    %ne3A_114 = arith.cmpi ne, %rem3A_112, %ne3A_113 : i32
    %and3A_115 = arith.andi %ne3A_111, %ne3A_114 : i1
    %sub3A_116 = arith.constant 1 : i32
    %sub3A_117 = arith.subi %div3A_96, %sub3A_116 : i32
    %select_n3A_118 = arith.select %and3A_115, %sub3A_117, %div3A_96 : i32
    %jit3A_119 = arith.constant 8 : i32
    %eq3A_120 = arith.constant 0 : i32
    %eq3A_121 = arith.cmpi eq, %jit3A_119, %eq3A_120 : i32
    %jit3A_122 = arith.constant 1 : i32
    %select_n3A_123 = arith.select %eq3A_121, %jit3A_122, %jit3A_119 : i32
    %rem3A_124 = arith.remsi %add3A, %select_n3A_123 : i32
    %ne3A_125 = arith.constant 0 : i32
    %ne3A_126 = arith.cmpi ne, %rem3A_124, %ne3A_125 : i32
    %lt3A_127 = arith.constant 0 : i32
    %lt3A_128 = arith.cmpi slt, %rem3A_124, %lt3A_127 : i32
    %lt3A_129 = arith.constant 0 : i32
    %lt3A_130 = arith.cmpi slt, %select_n3A_123, %lt3A_129 : i32
    %ne3A_131 = arith.xori %lt3A_128, %lt3A_130 : i1
    %and3A_132 = arith.andi %ne3A_131, %ne3A_126 : i1
    %add3A_133 = arith.addi %rem3A_124, %select_n3A_123 : i32
    %select_n3A_134 = arith.select %and3A_132, %add3A_133, %rem3A_124 : i32
    %mul3A_135 = arith.constant 512 : i32
    %mul3A_136 = arith.muli %select_n3A_134, %mul3A_135 : i32
    "tpu.region"() ({
      %run_scoped3A = tpu.sem_alloc : memref<!tpu.dma_semaphore, #tpu.memory_space<semaphore_mem>>
      %dma_start3A_137 = tpu.memref_slice %arg5[%select_n3A_118, %mul3A_136] : memref<4x4096xf32, #tpu.memory_space<hbm>> -> memref<1x512xf32, #tpu.memory_space<hbm>>
      %dma_start3A_138 = tpu.memref_squeeze %dma_start3A_137 : memref<1x512xf32, #tpu.memory_space<hbm>> -> memref<512xf32, #tpu.memory_space<hbm>>
      %dma_start3A_139 = tpu.memref_slice %arg5[%select_n3A_118, %mul3A_136] : memref<4x4096xf32, #tpu.memory_space<hbm>> -> memref<1x512xf32, #tpu.memory_space<hbm>>
      %dma_start3A_140 = tpu.memref_squeeze %dma_start3A_139 : memref<1x512xf32, #tpu.memory_space<hbm>> -> memref<512xf32, #tpu.memory_space<hbm>>
      tpu.enqueue_dma source(%arg9 : memref<512xf32, #tpu.memory_space<vmem>>) target(%dma_start3A_140 : memref<512xf32, #tpu.memory_space<hbm>>) target_semaphore(%run_scoped3A : memref<!tpu.dma_semaphore, #tpu.memory_space<semaphore_mem>>)
      %dma_wait3A_141 = tpu.memref_slice %arg5[%select_n3A_118, %mul3A_136] : memref<4x4096xf32, #tpu.memory_space<hbm>> -> memref<1x512xf32, #tpu.memory_space<hbm>>
      %dma_wait3A_142 = tpu.memref_squeeze %dma_wait3A_141 : memref<1x512xf32, #tpu.memory_space<hbm>> -> memref<512xf32, #tpu.memory_space<hbm>>
      %dma_wait3A_143 = tpu.memref_slice %arg5[%select_n3A_118, %mul3A_136] : memref<4x4096xf32, #tpu.memory_space<hbm>> -> memref<1x512xf32, #tpu.memory_space<hbm>>
      %dma_wait3A_144 = tpu.memref_squeeze %dma_wait3A_143 : memref<1x512xf32, #tpu.memory_space<hbm>> -> memref<512xf32, #tpu.memory_space<hbm>>
      tpu.wait_dma2 semaphore(%run_scoped3A : memref<!tpu.dma_semaphore, #tpu.memory_space<semaphore_mem>>) src(%arg9 : memref<512xf32, #tpu.memory_space<vmem>>) dst(%dma_wait3A_144 : memref<512xf32, #tpu.memory_space<hbm>>)
      tpu.yield
    }) : () -> ()
    return
  }
}

</mosaic_0001>

<sc_bundles>
// kernel: kernel.3.cloned.1.call-start
scs
__scs_entry_jumppad:
0x0: {  	(pc) =	sbr.rel $0x88, $3  }
0x1: {  	(tag) =	ssettag $0x0;
	lr =	simm.s32 $0x1  }
0x2: {  	[smem:$0x3F9F] =	sst lr;
	_ =	strace $0xD0000000  }
0x3: {  	_ = 	snop  }
0x4: {  	_ = 	snop  }
0x5: {  	_ = 	snop  }
0x6: {  	_ = 	snop  }
0x7: {  	_ = 	snop  }
__scs_overlays_trampoline_lowered:
0x8: {  	[smem:$0x3FAE] =	sst s0  }
0x9: {  	[smem:$0x3FAF] =	sst s1  }
0xa: {  	[smem:$0x3FB0] =	sst s2  }
0xb: {  	[smem:$0x3FB1] =	sst s3  }
0xc: {  	[smem:$0x3FB2] =	sst s4  }
0xd: {  	[smem:$0x3FB3] =	sst s5  }
0xe: {  	[smem:$0x3FB4] =	sst s6  }
0xf: {  	[smem:$0x3FB5] =	sst s7  }
0x10: {  	[smem:$0x3FB6] =	sst s8  }
0x11: {  	[smem:$0x3FB7] =	sst s9;
	s0 =	simm.s32 @!p0 $0x0  }
0x12: {  	s1 =	sld [smem:$0x3F9D];
	s0 =	simm.s32 @p0 $0x1  }
0x13: {  	[smem:$0x3FB8] =	sst s0;
	s0 =	simm.s32 @!p1 $0x0  }
0x14: {  	s2 =	sld [smem:$0x3F9C];
	s0 =	simm.s32 @p1 $0x1  }
0x15: {  	[smem:$0x3FB9] =	sst s0;
	s0 =	simm.s32 @!p2 $0x0  }
0x16: {  	s3 =	sld [smem:$0x3FDB];
	s0 =	simm.s32 @p2 $0x1  }
0x17: {  	s4 =	simm.s32 $0x1BF5;
	[smem:$0x3FBB] =	sst s0  }
0x18: {  	s0 =	sld [smem:$0x3F9E];
	_ =	swait.ge [sflag:s4], $0x0  }
0x19: {  	s7 =	sld [smem:$0x3F9F]  }
0x1a: {  	s8 =	sadd.s32 $0xFFFFE003, lr  }
0x1b: {  	s9 =	sadd.s32 $0xFFFFFEF7, lr;
	s5 =	simm.s32 $0xFFFFFFFF;
	p2 =	slt.u32 s8, $0xFFFFF086  }
0x1c: {  	p1 =	slt.u32 s9, $0xF7A;
	s5 =	simm.s32 @!p2 $0x0  }
0x1d: {  	s5 =	simm.s32 @p1 $0x1;
	p0 =	seq.s32 s7, s2  }
0x1e: {  	s7 =	smul.u32 @!p0 $0xF7A, s2;
	p2 =	seq.s32 @!p0 s5, $0x0  }
0x1f: {  	s9 =	smul.u32 $0xF7A, s1;
	s8 =	simm.s32 @!p0 $0x1BF5;
	p2 =	por !p2, p0  }
0x20: {  	[sflag:s8] =	ssyncset.s32 @!p0 $0xFFFFF086;
	s6 =	sadd.s32 @!p0 s3, s7;
	s7 =	simm.s32 @!p0 $0x108  }
0x21: {  	s3 =	sadd.s32 s3, s9;
	s6 =	sadd.s32 @!p0 $0x88, s6;
	s7 =	simm.s32 @p2 $0x1082  }
0x22: {  	[simem:s7], [sflag:s8] =	dma.local @!p0 [hbm:s6], $0xF7A  }
0x23: {  	s9 =	sor.u32 $0xD0000000, s2;
	s6 =	simm.s32 $0x108;
	_ =	swait.ge @!p0 [sflag:s8], $0x0  }
0x24: {  	s3 =	sadd.s32 $0x88, s3;
	s6 =	simm.s32 @!p1 $0x1082;
	[sflag:s4] =	ssyncset.s32 $0xFFFFF086  }
0x25: {  	[simem:s6], [sflag:s4] =	dma.local [hbm:s3], $0xF7A  }
0x26: {  	[smem:$0x3F9F] =	sst s1;
	(tag) =	ssettag s2;
	_ =	strace s9  }
0x27: {  	s1 =	sld [smem:$0x3FAF]  }
0x28: {  	s2 =	sld [smem:$0x3FB0]  }
0x29: {  	s4 =	sld [smem:$0x3FB2]  }
0x2a: {  	p0 =	seq.s32 s5, $0x0;
	s5 =	sld [smem:$0x3FB3]  }
0x2b: {  	s6 =	sld [smem:$0x3FB4]  }
0x2c: {  	s7 =	sld [smem:$0x3FB5]  }
0x2d: {  	s3 =	simm.s32 $0x108;
	s8 =	sld [smem:$0x3FB6]  }
0x2e: {  	s3 =	simm.s32 @!p0 $0x1082;
	s9 =	sld [smem:$0x3FB7]  }
0x2f: {  	lr =	sadd.s32 s0, s3;
	s0 =	sld [smem:$0x3FAE]  }
0x30: {  	s3 =	sld [smem:$0x3FB1]  }
0x31: {  	[smem:$0x3FBA] =	sst s10  }
0x32: {  	s10 =	sld [smem:$0x3FB8];
	_ =	sdelay $0x3  }
0x33: {  	p0 =	seq.s32 s10, $0x1;
	s10 =	sld [smem:$0x3FBA];
	_ =	sdelay $0x3  }
0x34: {  	[smem:$0x3FBA] =	sst s10  }
0x35: {  	s10 =	sld [smem:$0x3FB9];
	_ =	sdelay $0x3  }
0x36: {  	p1 =	seq.s32 s10, $0x1;
	s10 =	sld [smem:$0x3FBA];
	_ =	sdelay $0x3  }
0x37: {  	[smem:$0x3FBA] =	sst s10  }
0x38: {  	s10 =	sld [smem:$0x3FBB]  }
0x39: {  	_ = 	snop;
	(pc) =	sbr.ind lr, $3  }
0x3a: {  	_ = 	snop  }
0x3b: {  	_ = 	snop  }
0x3c: {  	p2 =	seq.s32 s10, $0x1;
	s10 =	sld [smem:$0x3FBA]  }
0x3d: {  	_ =	shalt  }
0x3e: {  	_ =	shalt  }
0x3f: {  	_ =	shalt  }
0x40: {  	_ =	shalt  }
0x41: {  	_ =	shalt  }
0x42: {  	_ =	shalt  }
0x43: {  	_ =	shalt  }
0x44: {  	_ =	shalt  }
0x45: {  	_ =	shalt  }
0x46: {  	_ =	shalt  }
0x47: {  	_ =	shalt  }
0x48: {  	_ =	shalt  }
0x49: {  	_ =	shalt  }
0x4a: {  	_ =	shalt  }
0x4b: {  	_ =	shalt  }
0x4c: {  	_ =	shalt  }
0x4d: {  	_ =	shalt  }
0x4e: {  	_ =	shalt  }
0x4f: {  	_ =	shalt  }
0x50: {  	_ =	shalt  }
0x51: {  	_ =	shalt  }
0x52: {  	_ =	shalt  }
0x53: {  	_ =	shalt  }
0x54: {  	_ =	shalt  }
0x55: {  	_ =	shalt  }
0x56: {  	_ =	shalt  }
0x57: {  	_ =	shalt  }
0x58: {  	_ =	shalt  }
0x59: {  	_ =	shalt  }
0x5a: {  	_ =	shalt  }
0x5b: {  	_ =	shalt  }
0x5c: {  	_ =	shalt  }
0x5d: {  	_ =	shalt  }
0x5e: {  	_ =	shalt  }
0x5f: {  	_ =	shalt  }
0x60: {  	_ =	shalt  }
0x61: {  	_ =	shalt  }
0x62: {  	_ =	shalt  }
0x63: {  	_ =	shalt  }
0x64: {  	_ =	shalt  }
0x65: {  	_ =	shalt  }
0x66: {  	_ =	shalt  }
0x67: {  	_ =	shalt  }
0x68: {  	_ =	shalt  }
0x69: {  	_ =	shalt  }
0x6a: {  	_ =	shalt  }
0x6b: {  	_ =	shalt  }
0x6c: {  	_ =	shalt  }
0x6d: {  	_ =	shalt  }
0x6e: {  	_ =	shalt  }
0x6f: {  	_ =	shalt  }
0x70: {  	_ =	shalt  }
0x71: {  	_ =	shalt  }
0x72: {  	_ =	shalt  }
0x73: {  	_ =	shalt  }
0x74: {  	_ =	shalt  }
0x75: {  	_ =	shalt  }
0x76: {  	_ =	shalt  }
0x77: {  	_ =	shalt  }
0x78: {  	_ =	shalt  }
0x79: {  	_ =	shalt  }
0x7a: {  	_ =	shalt  }
0x7b: {  	_ =	shalt  }
0x7c: {  	_ =	shalt  }
0x7d: {  	_ =	shalt  }
0x7e: {  	_ =	shalt  }
0x7f: {  	_ =	shalt  }
0x80: {  	_ =	shalt  }
0x81: {  	_ =	shalt  }
0x82: {  	_ =	shalt  }
0x83: {  	_ =	shalt  }
0x84: {  	_ =	shalt  }
0x85: {  	_ =	shalt  }
0x86: {  	_ =	shalt  }
0x87: {  	_ =	shalt  }
.Lfunc_end0:
.L_simem_size_0:
called_computation_lowered:
.L_overlay_start_0:
0x88: {  	s2 =	sld [smem:$0x3FD9]  }
0x89: {  	s3 =	sld [smem:$0x3FFE];
	_ =	sdelay $0x1  }
0x8a: {  	s1 =	srdreg.scid  }
0x8b: {  	s0 =	sand.u32 $0x1, s1  }
0x8c: {  	s17 =	sshll.u32 s0, $0xA;
	s2 =	sadd.s32 s3, s2  }
0x8d: {  	s2 =	sadd.s32 s2, s17  }
0x8e: {  	[smem:$0x3FC6] =	sst s2  }
0x8f: {  	_ = 	snop  }
0x90: {  	s2 =	sld [smem:$0x3FC9]  }
0x91: {  	s18 =	sld [smem:$0x3FC8]  }
0x92: {  	s4 =	sld [smem:$0x3FD0];
	(tm) =	ssettm $0x1  }
0x93: {  	s5 =	sld [smem:$0x3FFB];
	_ =	sdelay $0x3  }
0x94: {  	_ =	strace s5  }
0x95: {  	s5 =	sld [smem:$0x3FFC];
	_ =	sdelay $0x3  }
0x96: {  	_ =	strace s5  }
0x97: {  	s5 =	sld [smem:$0x3FFD];
	_ =	sdelay $0x3  }
0x98: {  	_ =	strace s5  }
0x99: {  	_ =	strace $0x8FFFFFFF  }
0x9a: {  	s19 =	sld [smem:$0x3FDB];
	_ =	sdelay $0x1  }
0x9b: {  	s6 =	simm.s32 $_scs_section_size  }
0x9c: {  	s7 =	simm.s32 $_size__tile_overlayer_lowered;
	s8 =	simm.s32 $_tile_overlayer_lowered  }
0x9d: {  	s22 =	simm.s32 $0x1BFF;
	s21 =	sshll.u32 s8, $0x1;
	s5 =	sadd.s32 s6, s19  }
0x9e: {  	s9 =	simm.s32 $0x0;
	s20 =	sshll.u32 s7, $0x1;
	s7 =	sadd.s32 s21, s5  }
0x9f: {  	[timem:s9], [sflag:s22] =	dma.local [hbm:s7], s20  }
0xa0: {  	_ =	swait.ge [sflag:s22], s20  }
0xa1: {  	s6 =	ssub.s32 $0x0, s20;
	[sflag:s22] =	ssyncset.done $0x0  }
0xa2: {  	[sflag:s22] =	ssyncadd.s32 s6;
	_ =	sdelay $0x1  }
0xa3: {  	s23 =	simm.s32 $0x1B8B  }
0xa4: {  	_ =	swait.ge [sflag:s23], $0x1  }
0xa5: {  	[sflag:s23] =	ssyncset.done $0x0  }
0xa6: {  	s25 =	simm.s32 $0x1B8E;
	s24 =	sld [smem:$0x3FFE];
	[sflag:s23] =	ssyncadd.s32 $0xFFFFFFFF  }
0xa7: {  	s26 =	simm.s32 $execute0_lowered;
	[smem:$0x3FD2] =	sst s25  }
0xa8: {  	s7 =	sshll.u32 s26, $0x1;
	_ =	strace $0x80000046;
	[dreg:$0x1] =	wrdreg $0xFFFFFFFF  }
0xa9: {  	s28 =	simm.s32 $_size_execute0_lowered;
	s5 =	sadd.s32 s5, s7;
	[dreg:$0x0] =	wrdreg $0x0  }
0xaa: {  	s7 =	sshll.u32 s28, $0x1;
	[dreg:$0x2] =	wrdreg s5  }
0xab: {  	[dreg:$0x3] =	wrdreg s7  }
0xac: {  	[dreg:$0x4] =	wrdreg $0xC0  }
0xad: {  	_ =	task [dreg:s9], $0x5FFFF  }
0xae: {  	[dreg:$0x1] =	wrdreg $0xFFFFFFFF  }
0xaf: {  	[dreg:$0x0] =	wrdreg $0x60  }
0xb0: {  	[dreg:$0x2] =	wrdreg s2  }
0xb1: {  	[dreg:$0x3] =	wrdreg s18  }
0xb2: {  	[dreg:$0x4] =	wrdreg s4  }
0xb3: {  	[dreg:$0x5] =	wrdreg s24  }
0xb4: {  	[dreg:$0x6] =	wrdreg $0x9  }
0xb5: {  	_ =	task.clear_ibuf [dreg:s9], $0x7FFFF;
	_ =	strace $0x90000046  }
0xb6: {  	s29 =	simm.s32 $0x9;
	_ =	strace $0x80000048  }
0xb7: {  	_ =	swait.ge [sflag:s29], $0x1  }
0xb8: {  	[sflag:s29] =	ssyncadd.s32 $0xFFFFFFFF  }
0xb9: {  	_ =	strace $0x90000048  }
0xba: {  	_ =	sfence  }
0xbb: {  	s30 =	sld [smem:$0x0];
	_ =	sdelay $0x2  }
0xbc: {  	s31 =	sshll.u32 s1, $0xD;
	s1 =	sshrl.u32 s1, $0x2  }
0xbd: {  	s3 =	sand.u32 $0x4000, s31;
	s1 =	sadd.s32 s1, s30  }
0xbe: {  	s0 =	sor.u32 s3, s0;
	s1 =	sshll.u32 s1, $0x11  }
0xbf: {  	s0 =	sor.u32 s1, s0  }
0xc0: {  	s0 =	sadd.s32 $0x8F2B, s0  }
0xc1: {  	[sflag:s0] =	ssyncadd.remote.s32 $0x1  }
0xc2: {  	_ =	sfence.sel $0xFFFF  }
0xc3: {  	[dreg:$0x0] =	wrdreg $0xFFFFFFFF;
	(pc) =	sbr.abs _section_cstart, $3  }
0xc4: {  	[dreg:$0x1] =	wrdreg $0xFFFFFFFF  }
0xc5: {  	_ =	task.clear_ibuf [dreg:s9], $0x2FFFF;
	_ =	strace $0x9FFFFFFF  }
0xc6: {  	(tm) =	ssettm $0x7FFFFFFF  }
0xc7: {  	_ =	shalt  }
tec
execute0_lowered:
.L_overlay_start_1:
0x0: {  	(tag) =	ssettag $0x1  }
0x1: {  	s1 =	rddreg [dreg:$0x0]  }
0x2: {  	s2 =	rddreg [dreg:$0x1]  }
0x3: {  	s3 =	rddreg [dreg:$0x2]  }
0x4: {  	s6 =	rddreg [dreg:$0x3];
	s5 =	simm.s32 $0x0;
	s4 =	stileid.u32  }
0x5: {  	s7 =	srdreg.scid;
	s12 =	simm.s32 $0x4000;
	s13 =	simm.s32 $0x1000  }
0x6: {  	s14 =	simm.s32 $0x9000;
	s15 =	simm.s32 $0x800;
	s16 =	simm.s32 $0x1  }
0x7: {  	s17 =	simm.s32 $0x2;
	s18 =	simm.s32 $0x3;
	s19 =	simm.s32 $0x4  }
0x8: {  	s20 =	simm.s32 $0x80;
	s21 =	simm.s32 $0x200;
	s22 =	simm.s32 $0x11000  }
0x9: {  	s23 =	simm.s32 $0x5;
	s24 =	simm.s32 $0x0;
	[smem:$0x7FF] =	sst s5  }
0xa: {  	s8 =	sshll.u32 s4, $0x2;
	s7 =	sand.u32 $0x1, s7;
	s9 =	sshll.u32 s4, $0x1  }
0xb: {  	_ =	strace $0x80000047;
	s8 =	sand.u32 $0x30, s8;
	s10 =	ssub.s32 $0x2, s7  }
0xc: {  	s7 =	sor.u32 s7, s9;
	s8 =	sadd.s32 s8, s6;
	s31 =	sshrl.u32 s10, $0x1  }
0xd: {  	s9 =	sshll.u32 s7, $0x8;
	s11 =	sshll.u32 s7, $0x11;
	s6 =	sshll.u32 s7, $0x14  }
0xe: {  	s10 =	ssub.s32 s10, s31;
	s9 =	sand.u32 $0x700, s9;
	s11 =	sadd.s32 s11, s1  }
0xf: {  	v0 =	vlaneseq.u32;
	s9 =	sadd.s32 s9, s8;
	s7 =	sadd.s32 $0x500, s11;
	s8 =	sadd.s32 $0x10500, s11  }
0x10: {  	v1 =	vmul.u32 $0x80, v0;
	s10 =	smax.u32 s10, $0x1;
	s11 =	simm.s32 $0x400;
	s9 =	sadd.s32 $0x400, s9  }
.LBB2_1:
0x11: {  	[tilespmem:s13], [sflag:$0x3] =	stream.strided.gather [hbm4b:s7+s11], $0x8000, s12, s11, $0x38;
	[tilespmem:$0x11200] =	vst v63  }
0x12: {  	_ = 	snop  }
0x13: {  	[tilespmem:s14], [sflag:$0x4] =	stream.strided.gather [hbm4b:s8+s11], $0x8000, s12, s11, $0x38;
	[tilespmem:$0x11200] =	vst v63  }
0x14: {  	_ = 	snop  }
0x15: {  	[tilespmem:s5], [sflag:$0x1] =	stream.linear.gather [hbm4b:s2+s5], $0x800, $0x38;
	[tilespmem:$0x11200] =	vst v63  }
0x16: {  	_ = 	snop  }
0x17: {  	[tilespmem:s15], [sflag:$0x2] =	stream.linear.gather [hbm4b:s3+s5], $0x800, $0x38;
	[tilespmem:$0x11200] =	vst v63  }
0x18: {  	_ =	swait.ge [sflag:s16], $0x800  }
0x19: {  	[sflag:s16] =	ssyncset.done $0x0  }
0x1a: {  	[sflag:s16] =	ssyncadd.s32 $0xFFFFF800  }
0x1b: {  	_ =	swait.ge [sflag:s17], $0x800  }
0x1c: {  	[sflag:s17] =	ssyncset.done $0x0  }
0x1d: {  	s25 =	simm.s32 $0x20;
	[sflag:s17] =	ssyncadd.s32 $0xFFFFF800  }
0x1e: {  	s26 =	simm.s32 $0x820;
	v6 =	vld [tilespmem:s25+$0x0]  }
0x1f: {  	v7 =	vld [tilespmem:s26+$0x0]  }
0x20: {  	v5 =	vld [tilespmem:s25+$0xFFFFFFE0]  }
0x21: {  	v8 =	vld [tilespmem:s26+$0xFFFFFFE0]  }
0x22: {  	v9 =	vld [tilespmem:s25+$0xFFFFFFF0]  }
0x23: {  	v10 =	vld [tilespmem:s26+$0xFFFFFFF0]  }
0x24: {  	v11 =	vld [tilespmem:s25+$0x10]  }
0x25: {  	s31 =	simm.s32 $0x60;
	v12 =	vld [tilespmem:s26+$0x10]  }
0x26: {  	v2 =	vld [tilespmem:s31+$0x0]  }
0x27: {  	v13 =	vimm.f32 $-3.000000010e+38;
	v14 =	vimm.s32 $0x0;
	v15 =	vor.u32 s5, v0;
	s29 =	simm.s32 $0x10;
	s25 =	simm.s32 $0x860;
	v3 =	vld [tilespmem:s31+$0xFFFFFFE0]  }
0x28: {  	s28 =	simm.s32 $0x20;
	s30 =	simm.s32 $0x30;
	v17 =	vor.u32 s29, v0;
	v4 =	vld [tilespmem:s25+$0x0];
	v16 =	vadd.f32 v8, v5;
	v10 =	vadd.f32 v10, v9  }
0x29: {  	v19 =	vor.u32 s30, v0;
	v8 =	vor.u32 s28, v0;
	v5 =	vld [tilespmem:s25+$0xFFFFFFE0];
	v18 =	vadd.f32 v7, v6  }
0x2a: {  	v6 =	vld [tilespmem:s31+$0xFFFFFFF0];
	v11 =	vadd.f32 v12, v11;
	vm0 =	vgt.f32 v16, v13;
	vm1 =	vgt.f32 v10, v13  }
0x2b: {  	v9 =	vld [tilespmem:s25+$0xFFFFFFF0];
	v12 =	vsel vm0, v16, v13;
	v63 =	vsel vm1, v10, v13;
	v17 =	vsel vm1, v17, v14  }
0x2c: {  	v7 =	vld [tilespmem:s31+$0x10];
	v14 =	vsel vm0, v15, v14;
	vm0 =	vgt.f32 v18, v12;
	vm1 =	vgt.f32 v11, v63  }
0x2d: {  	s29 =	simm.s32 $0x0;
	s26 =	simm.s32 $0x2;
	s28 =	simm.s32 $0xA0;
	v13 =	vld [tilespmem:s25+$0x10];
	v10 =	vsel vm0, v18, v12;
	v11 =	vsel vm1, v11, v63;
	v12 =	vsel vm1, v19, v17  }
.LBB2_2:
0x2e: {  	v15 =	vld [tilespmem:s28+$0x0];
	s25 =	sadd.s32 $0x40, s25;
	v14 =	vsel vm0, v8, v14;
	s29 =	sadd.s32 $0x40, s29  }
0x2f: {  	s26 =	sadd.s32 $0x2, s26;
	v16 =	vld [tilespmem:s25+$0x0];
	v17 =	vor.u32 s29, v0;
	s30 =	sadd.s32 $0x20, s29  }
0x30: {  	v18 =	vadd.f32 v5, v3;
	s31 =	sadd.s32 $0x10, s29;
	s0 =	sadd.s32 $0x30, s29;
	p0 =	slt.u32 s26, $0x3E;
	v3 =	vld [tilespmem:s28+$0xFFFFFFE0];
	v19 =	vadd.f32 v9, v6;
	v8 =	vor.u32 s30, v0  }
.Ltmp0:
0x31: {  	v21 =	vadd.f32 v4, v2;
	v20 =	vor.u32 s31, v0;
	v22 =	vor.u32 s0, v0;
	v5 =	vld [tilespmem:s25+$0xFFFFFFE0];
	(pc) =	sbr.rel @p0 .LBB2_2-.Ltmp0, $4  }
0x32: {  	vm0 =	vgt.f32 v18, v10;
	v6 =	vld [tilespmem:s28+$0xFFFFFFF0];
	vm1 =	vgt.f32 v19, v11;
	v23 =	vadd.f32 v13, v7  }
0x33: {  	v10 =	vsel vm0, v18, v10;
	v9 =	vld [tilespmem:s25+$0xFFFFFFF0];
	v11 =	vsel vm1, v19, v11;
	v12 =	vsel vm1, v20, v12;
	v2 =	vmovc v15  }
0x34: {  	v14 =	vsel vm0, v17, v14;
	vm0 =	vgt.f32 v21, v10;
	v7 =	vld [tilespmem:s28+$0x10];
	vm1 =	vgt.f32 v23, v11;
	v4 =	vmovc v16  }
0x35: {  	v10 =	vsel vm0, v21, v10;
	s28 =	sadd.s32 $0x40, s28;
	v13 =	vld [tilespmem:s25+$0x10];
	v11 =	vsel vm1, v23, v11;
	v12 =	vsel vm1, v22, v12  }
0x36: {  	s0 =	sadd.s32 $0x40, s29  }
0x37: {  	v8 =	vsel vm0, v8, v14;
	v3 =	vadd.f32 v5, v3;
	v2 =	vadd.f32 v4, v2;
	s25 =	sadd.s32 $0x20, s0  }
0x38: {  	v62 =	vor.u32 s0, v0;
	s26 =	sadd.s32 $0x10, s0;
	s0 =	sadd.s32 $0x30, s0;
	v5 =	vadd.f32 v9, v6;
	v6 =	vor.u32 s25, v0  }
0x39: {  	v63 =	vor.u32 s26, v0;
	v4 =	vor.u32 s0, v0;
	vm12 =	vgt.f32 v3, v10  }
0x3a: {  	v3 =	vsel vm12, v3, v10;
	vm1 =	vgt.f32 v5, v11;
	v7 =	vadd.f32 v13, v7  }
0x3b: {  	v8 =	vsel vm12, v62, v8;
	vm13 =	vgt.f32 v2, v3;
	v5 =	vsel vm1, v5, v11  }
0x3c: {  	v9 =	vsel vm1, v63, v12;
	v2 =	vsel vm13, v2, v3;
	vm14 =	vgt.f32 v7, v5  }
0x3d: {  	v3 =	vsel vm14, v7, v5;
	v4 =	vsel vm14, v4, v9;
	v5 =	vsel vm13, v6, v8  }
0x3e: {  	vm15 =	veq.f32 v3, v2;
	vm1 =	vlt.s32 v4, v5  }
0x3f: {  	vm2 =	vgt.f32 v3, v2;
	vm0 =	vmand vm15, vm1  }
0x40: {  	vm0 =	vmor vm2, vm0  }
0x41: {  	v2 =	vsel vm0, v3, v2;
	v3 =	vsel vm0, v4, v5  }
0x42: {  	(xrf1) =	vsort.dscd.msk.f32 $0xffff, v2, v3;
	_ =	sdelay $0xd  }
0x43: {  	_, v2, _ =	vpop (xrf1)  }
0x44: {  	(v2sf) =	vpush v2, $0x0;
	_ =	sdelay $0xe  }
0x45: {  	s30 =	spop (v2sf)  }
0x46: {  	s31 =	sand.u32 $0x7F, s30  }
0x47: {  	s28 =	sshra.s32 s30, $0x1F;
	p0 =	slt.s32 s30, $0x1;
	p1 =	sne.s32 s31, $0x0  }
0x48: {  	s26 =	sshrl.u32 s28, $0x19;
	p0 =	por !p0, !p1  }
0x49: {  	s0 =	sadd.s32 s26, s30;
	s26 =	simm.s32 $0x1;
	p0 =	por !p0, !p0  }
0x4a: {  	_ =	swait.ge [sflag:s18], $0x8000;
	s0 =	sshra.s32 s0, $0x7;
	s26 =	simm.s32 @!p0 $0x0  }
0x4b: {  	[sflag:s18] =	ssyncset.done $0x0;
	s0 =	ssub.s32 s0, s26  }
0x4c: {  	[sflag:s18] =	ssyncadd.s32 $0xFFFF8000;
	p0 =	seq.s32 s0, $0xA  }
0x4d: {  	s29 =	simm.s32 $0x0;
	_ =	swait.ge [sflag:s19], $0x8000;
	s0 =	sshll.u32 @!p0 s0, $0xA  }
0x4e: {  	v2 =	vmov s29;
	[sflag:s19] =	ssyncset.done $0x0;
	s0 =	sadd.s32 @!p0 s6, s0  }
0x4f: {  	v3 =	vshll.u32 v2, $0x7;
	[sflag:s19] =	ssyncadd.s32 $0xFFFF8000;
	s26 =	simm.s32 @!p0 $0x400;
	s0 =	sshrl.u32 @!p0 s0, $0x3  }
0x50: {  	v3 =	vor.u32 v1, v3;
	v2 =	vmov s31;
	s28 =	simm.s32 @!p0 $0x4000;
	s29 =	simm.s32 @!p0 $0x1000;
	s0 =	sadd.s32 @!p0 s1, s0  }
0x51: {  	v3 =	vor.u32 v2, v3;
	[tilespmem:s29], [sflag:$0x5] =	stream.strided.gather @!p0 [hbm4b:s0+s26], $0x10000, s28, s26, $0x38;
	[tilespmem:$0x11200] =	vst v63  }
0x52: {  	s0 =	simm.s32 @!p0 $0x5  }
0x53: {  	_ =	swait.ge @!p0 [sflag:s0], $0x10000  }
0x54: {  	[sflag:s0] =	ssyncset.done @!p0 $0x0  }
0x55: {  	s30 =	simm.s32 $0x10;
	[sflag:s0] =	ssyncadd.s32 @!p0 $0xFFFF0000  }
0x56: {  	v5 =	vld.idx.msk [tilespmem:v3+s13+$0x0], $0xffff;
	v3 =	vmov s30  }
0x57: {  	v3 =	vshll.u32 v3, $0x7  }
0x58: {  	v3 =	vor.u32 v1, v3  }
0x59: {  	v3 =	vor.u32 v2, v3;
	_ =	sdelay $0x2  }
0x5a: {  	s25 =	simm.s32 $0x11000;
	s31 =	simm.s32 $0x20  }
0x5b: {  	v4 =	vmov s31;
	s26 =	simm.s32 $0x30;
	[tilespmem:s25+$0x0] =	vst v5  }
.LBB2_4:
0x5c: {  	p0 =	sne.s32 s26, $0x1F0;
	v4 =	vshll.u32 v4, $0x7;
	v5 =	vld.idx.msk [tilespmem:v3+s13+$0x0], $0xffff  }
0x5d: {  	v3 =	vor.u32 v1, v4  }
.Ltmp1:
0x5e: {  	v3 =	vor.u32 v2, v3;
	(pc) =	sbr.rel @p0 .LBB2_4-.Ltmp1, $3  }
0x5f: {  	_ =	sdelay $0x1  }
0x60: {  	s25 =	sadd.s32 $0x10, s25  }
0x61: {  	v4 =	vmov s26;
	s26 =	sadd.s32 $0x10, s26;
	[tilespmem:s25+$0x0] =	vst v5  }
0x62: {  	_ =	sdelay $0x2  }
0x63: {  	v4 =	vshll.u32 v4, $0x7  }
0x64: {  	v3 =	vld.idx.msk [tilespmem:v3+s13+$0x0], $0xffff;
	v4 =	vor.u32 v1, v4  }
0x65: {  	v2 =	vor.u32 v2, v4;
	_ =	sdelay $0x2  }
0x66: {  	s0 =	sadd.s32 $0x10, s25  }
0x67: {  	[tilespmem:s0+$0x0] =	vst v3  }
0x68: {  	v2 =	vld.idx.msk [tilespmem:v2+s13+$0x0], $0xffff;
	_ =	sdelay $0x2  }
0x69: {  	s24 =	sadd.s32 $0x1, s24  }
0x6a: {  	p0 =	sne.s32 s24, s10;
	s0 =	sadd.s32 $0x10, s0  }
.Ltmp2:
0x6b: {  	[tilespmem:s0+$0x0] =	vst v2;
	(pc) =	sbr.rel @p0 .LBB2_1-.Ltmp2, $4  }
0x6c: {  	[hbm4b:s9+s20] =	stream.strided.scatter [tilespmem:s22], [sflag:$0x5], $0x200, s21, s20, $0x38;
	[tilespmem:$0x11200] =	vst v63  }
0x6d: {  	_ =	swait.ge [sflag:s23], $0x200  }
0x6e: {  	[sflag:s23] =	ssyncset.done $0x0  }
0x6f: {  	[sflag:s23] =	ssyncadd.s32 $0xFFFFFE00  }
0x70: {  	_ =	sfence.sel $0x180000  }
0x71: {  	[bflag:$0x0] =	sbarrier.arrive $0xFFFF  }
0x72: {  	_ =	strace $0x90000047  }
0x73: {  	[bflag:$0x2] =	sbarrier.arrive $0xFFFF  }
0x74: {  	p0 =	sne.s32 s4, $0x0;
	s0 =	rddreg [dreg:$0x4]  }
0x75: {  	s0 =	sadd.s32 @!p0 $0x100000, s0  }
0x76: {  	[sflag:s0] =	ssyncadd.tile.s32 @!p0 $0x1;
	_ =	shalt  }
.Lfunc_end2:
_tile_overlayer_lowered:
.L_overlay_start_2:
0x77: {  	(tag) =	ssettag $0x2  }
0x78: {  	s0 =	rddreg [dreg:$0x0];
	s2 =	stileid.u32  }
0x79: {  	s1 =	rddreg [dreg:$0x1];
	p0 =	sne.s32 s2, $0x0  }
0x7a: {  	s3 =	rddreg [dreg:$0x2];
	[bflag:$0x3] =	sbarrier.arrive $0xFFFF;
	s2 =	simm.s32 @!p0 $0x1C05  }
0x7b: {  	[timem:s3], [sflag:s2] =	dma.local @!p0 [hbm:s0], s1  }
0x7c: {  	s0 =	simm.s32 @!p0 $0x5  }
0x7d: {  	_ =	swait.ge @!p0 [sflag:s0], s1  }
0x7e: {  	s1 =	ssub.s32 @!p0 $0x0, s1;
	[sflag:s0] =	ssyncset.done @!p0 $0x0  }
0x7f: {  	[sflag:s0] =	ssyncadd.s32 @!p0 s1  }
0x80: {  	[bflag:$0x3] =	sbarrier.arrive $0xFFFF  }
0x81: {  	_ =	shalt  }

</sc_bundles>
